<compile_context>
chip_gen: v7x
topology: tpu7x:2x2x1
jax: 0.10.2.dev20260603
libtpu: 0.0.44.dev20260713+nightly
codegen_flags: <defaults>
</compile_context>

<pallas_src>
import functools

import jax
import jax.numpy as jnp
from jax import lax
from jax.experimental import pallas as pl
from jax.experimental.pallas import tpu as pltpu
from jax.experimental.pallas import tpu_sc as plsc

KMERS = 1024
LANES = 16
NUM_WORKERS = 32
SEQ = 200
BATCH = 16384
COLS_PER_TILE = BATCH // NUM_WORKERS
CHUNK_COLS = 128
N_CHUNKS = COLS_PER_TILE // CHUNK_COLS

_MESH = plsc.VectorSubcoreMesh(core_axis_name="c", subcore_axis_name="s")


@functools.partial(
    pl.kernel,
    mesh=_MESH,
    out_type=jax.ShapeDtypeStruct((SEQ, BATCH), jnp.float32),
    scratch_types=[
        pltpu.VMEM((KMERS,), jnp.float32),
        pltpu.VMEM((KMERS,), jnp.float32),
        pltpu.VMEM((SEQ, CHUNK_COLS), jnp.int32),
        pltpu.VMEM((SEQ, CHUNK_COLS), jnp.int32),
        pltpu.VMEM((SEQ, CHUNK_COLS), jnp.float32),
        pltpu.VMEM((SEQ, CHUNK_COLS), jnp.float32),
        pltpu.SemaphoreType.DMA,
        pltpu.SemaphoreType.DMA,
        pltpu.SemaphoreType.DMA,
        pltpu.SemaphoreType.DMA,
    ],
    compiler_params=pltpu.CompilerParams(
        needs_layout_passes=False, use_tc_tiling_on_sc=True),
)
def _sc_lookup(idx_hbm, table_hbm, out_hbm, tab_v, exp_v, i0, i1, o0, o1,
               si0, si1, so0, so1):
    wid = lax.axis_index("s") * 2 + lax.axis_index("c")
    col_base = wid * COLS_PER_TILE

    bufs = ((i0, o0, si0, so0), (i1, o1, si1, so1))

    for b in range(2):
        pltpu.async_copy(
            idx_hbm.at[:, pl.ds(col_base + b * CHUNK_COLS, CHUNK_COLS)],
            bufs[b][0], bufs[b][2])

    pltpu.sync_copy(table_hbm, tab_v)

    @plsc.parallel_loop(0, KMERS // LANES, unroll=4)
    def _exp(i):
        sl = pl.ds(i * LANES, LANES)
        exp_v[sl] = jnp.exp(tab_v[sl])

    def outer(p, carry):
        for b in range(2):
            ib, ob, si, so = bufs[b]
            c = p * 2 + b
            coff = col_base + c * CHUNK_COLS
            hbm_cols = pl.ds(coff, CHUNK_COLS)
            pltpu.make_async_copy(idx_hbm.at[:, hbm_cols], ib, si).wait()

            @pl.when(p > 0)
            def _():
                pltpu.make_async_copy(ob, out_hbm.at[:, hbm_cols], so).wait()

            @plsc.parallel_loop(0, SEQ)
            def _row(r):
                for v in range(CHUNK_COLS // LANES):
                    sl = pl.ds(v * LANES, LANES)
                    ob[r, sl] = plsc.load_gather(exp_v, [ib[r, sl]])

            pltpu.async_copy(ob, out_hbm.at[:, hbm_cols], so)

            @pl.when(c + 2 < N_CHUNKS)
            def _():
                pltpu.async_copy(
                    idx_hbm.at[:, pl.ds(coff + 2 * CHUNK_COLS, CHUNK_COLS)],
                    ib, si)
        return carry

    lax.fori_loop(0, N_CHUNKS // 2, outer, 0)

    for b in range(2):
        ib, ob, si, so = bufs[b]
        coff = col_base + (N_CHUNKS - 2 + b) * CHUNK_COLS
        pltpu.make_async_copy(ob, out_hbm.at[:, pl.ds(coff, CHUNK_COLS)],
                              so).wait()


def kernel(encoded_parents, masks, kmer_embedding):
    del masks
    idx_t = encoded_parents.T.astype(jnp.int32)
    table = kmer_embedding.reshape(-1).astype(jnp.float32)
    return _sc_lookup(idx_t, table).T

# --- scband reference (transcript-rebuilt; emitter-appended) ---
"""Pipeline reference for scband-fivemer-model-23493471109538 (READ-ONLY COPY).

The authoritative reference and input builder live on the scoring server;
editing this copy changes nothing except your own understanding.
"""

import jax, jax.numpy as jnp
import numpy as np

KMER_COUNT = 1024  # 4**5 DNA 5-mers
BATCH = 16384
SEQ_LEN = 200


def setup_inputs(seed: int = 0) -> dict:
    key = jax.random.key(seed)
    k1, k2 = jax.random.split(key, 2)
    encoded_parents = jax.random.randint(k1, (BATCH, SEQ_LEN), 0, KMER_COUNT)
    masks = jnp.ones((BATCH, SEQ_LEN), dtype=jnp.float32)
    # nn.Embedding(kmer_count, 1) weight, default N(0,1) init
    kmer_embedding = jax.random.normal(k2, (KMER_COUNT, 1), dtype=jnp.float32)
    return {
        "encoded_parents": encoded_parents,
        "masks": masks,
        "kmer_embedding": kmer_embedding,
    }


def reference(encoded_parents, masks, kmer_embedding):
    # log_kmer_rates = self.kmer_embedding(encoded_parents).squeeze()
    log_kmer_rates = jnp.take(kmer_embedding, encoded_parents, axis=0).squeeze(-1)
    # rates = torch.exp(log_kmer_rates)
    rates = jnp.exp(log_kmer_rates)
    return rates

if __name__ == "__main__":
    import jax
    _d = setup_inputs()
    print(jax.jit(kernel)(*tuple(_d.values())))

</pallas_src>

<mosaic_0001>
#map = affine_map<(d0, d1) -> (0, 0)>
#map1 = affine_map<(d0, d1) -> (0)>
module attributes {stable_mosaic.version = 14 : i64} {
  func.func @_sc_lookup(%arg0: i32, %arg1: i32, %arg2: memref<200x16384xi32, #tpu.memory_space<hbm>>, %arg3: memref<1024xf32, #tpu.memory_space<hbm>>, %arg4: memref<200x16384xf32, #tpu.memory_space<hbm>>, %arg5: memref<1024xf32, #tpu.memory_space<vmem>>, %arg6: memref<1024xf32, #tpu.memory_space<vmem>>, %arg7: memref<200x128xi32, #tpu.memory_space<vmem>>, %arg8: memref<200x128xi32, #tpu.memory_space<vmem>>, %arg9: memref<200x128xf32, #tpu.memory_space<vmem>>, %arg10: memref<200x128xf32, #tpu.memory_space<vmem>>, %arg11: memref<!tpu.dma_semaphore, #tpu.memory_space<semaphore_mem>>, %arg12: memref<!tpu.dma_semaphore, #tpu.memory_space<semaphore_mem>>, %arg13: memref<!tpu.dma_semaphore, #tpu.memory_space<semaphore_mem>>, %arg14: memref<!tpu.dma_semaphore, #tpu.memory_space<semaphore_mem>>) attributes {dimension_semantics = [#tpu.dimension_semantics<core_parallel>, #tpu.dimension_semantics<subcore_parallel>], iteration_bounds = array<i64: 2, 16>, scalar_prefetch = 0 : i64, scratch_operands = 10 : i64, tpu.core_type = #tpu.core_type<sc_vector_subcore>, window_params = [{transform_indices = #map}, {transform_indices = #map1}, {transform_indices = #map}]} {
    %mul3A = arith.constant 2 : i32
    %mul3A_0 = arith.muli %arg1, %mul3A : i32
    %add3A = arith.addi %mul3A_0, %arg0 : i32
    %mul3A_1 = arith.constant 512 : i32
    %mul3A_2 = arith.muli %add3A, %mul3A_1 : i32
    %add3A_3 = arith.constant 0 : i32
    %add3A_4 = arith.addi %mul3A_2, %add3A_3 : i32
    %dma_start3A = arith.constant 0 : i32
    %dma_start3A_5 = tpu.memref_slice %arg2[%dma_start3A, %add3A_4] : memref<200x16384xi32, #tpu.memory_space<hbm>> -> memref<200x128xi32, #tpu.memory_space<hbm>>
    %dma_start3A_6 = arith.constant 0 : i32
    %dma_start3A_7 = tpu.memref_slice %arg2[%dma_start3A_6, %add3A_4] : memref<200x16384xi32, #tpu.memory_space<hbm>> -> memref<200x128xi32, #tpu.memory_space<hbm>>
    tpu.enqueue_dma source(%dma_start3A_7 : memref<200x128xi32, #tpu.memory_space<hbm>>) target(%arg7 : memref<200x128xi32, #tpu.memory_space<vmem>>) target_semaphore(%arg11 : memref<!tpu.dma_semaphore, #tpu.memory_space<semaphore_mem>>)
    %add3A_8 = arith.constant 128 : i32
    %add3A_9 = arith.addi %mul3A_2, %add3A_8 : i32
    %dma_start3A_10 = arith.constant 0 : i32
    %dma_start3A_11 = tpu.memref_slice %arg2[%dma_start3A_10, %add3A_9] : memref<200x16384xi32, #tpu.memory_space<hbm>> -> memref<200x128xi32, #tpu.memory_space<hbm>>
    %dma_start3A_12 = arith.constant 0 : i32
    %dma_start3A_13 = tpu.memref_slice %arg2[%dma_start3A_12, %add3A_9] : memref<200x16384xi32, #tpu.memory_space<hbm>> -> memref<200x128xi32, #tpu.memory_space<hbm>>
    tpu.enqueue_dma source(%dma_start3A_13 : memref<200x128xi32, #tpu.memory_space<hbm>>) target(%arg8 : memref<200x128xi32, #tpu.memory_space<vmem>>) target_semaphore(%arg12 : memref<!tpu.dma_semaphore, #tpu.memory_space<semaphore_mem>>)
    "tpu.region"() ({
      %run_scoped3A = tpu.sem_alloc : memref<!tpu.dma_semaphore, #tpu.memory_space<semaphore_mem>>
      tpu.enqueue_dma source(%arg3 : memref<1024xf32, #tpu.memory_space<hbm>>) target(%arg5 : memref<1024xf32, #tpu.memory_space<vmem>>) target_semaphore(%run_scoped3A : memref<!tpu.dma_semaphore, #tpu.memory_space<semaphore_mem>>)
      tpu.wait_dma2 semaphore(%run_scoped3A : memref<!tpu.dma_semaphore, #tpu.memory_space<semaphore_mem>>) src(%arg3 : memref<1024xf32, #tpu.memory_space<hbm>>) dst(%arg5 : memref<1024xf32, #tpu.memory_space<vmem>>)
      tpu.yield
    }) : () -> ()
    %parallel_loop3A = arith.constant 0 : i32
    %parallel_loop3A_14 = arith.constant 64 : i32
    %parallel_loop3A_15 = arith.constant 1 : i32
    scf.for %parallel_loop3A_32 = %parallel_loop3A to %parallel_loop3A_14 step %parallel_loop3A_15  : i32 {
      %parallel_loop3A_33 = arith.constant 16 : i32
      %parallel_loop3A_34 = arith.muli %parallel_loop3A_32, %parallel_loop3A_33 : i32
      %parallel_loop3A_35 = arith.index_cast %parallel_loop3A_34 : i32 to index
      %parallel_loop3A_36 = tpu.vector_load %arg5[%parallel_loop3A_35] {strides = array<i32>} : memref<1024xf32, #tpu.memory_space<vmem>>, vector<16xf32>,
      %parallel_loop3A_37 = math.exp %parallel_loop3A_36 : vector<16xf32>
      %parallel_loop3A_38 = arith.index_cast %parallel_loop3A_34 : i32 to index
      %parallel_loop3A_39 = tpu.vector_load %arg6[%parallel_loop3A_38] {strides = array<i32>} : memref<1024xf32, #tpu.memory_space<vmem>>, vector<16xf32>,
      tpu.vector_store %arg6[%parallel_loop3A_38], %parallel_loop3A_37 {strides = array<i32>} : memref<1024xf32, #tpu.memory_space<vmem>>, vector<16xf32>,
    } {sc.loop_unroll_factor = 4 : i64, sc.parallel_access}
    %scan3A = arith.constant 0 : i32
    %scan3A_16 = arith.constant 0 : i32
    %scan3A_17 = arith.constant 2 : i32
    %scan3A_18 = arith.addi %scan3A_16, %scan3A_17 : i32
    %scan3A_19 = arith.constant 1 : i32
    scf.for %scan3A_32 = %scan3A_16 to %scan3A_18 step %scan3A_19  : i32 {
      %mul3A_33 = arith.constant 2 : i32
      %mul3A_34 = arith.muli %scan3A_32, %mul3A_33 : i32
      %add3A_35 = arith.constant 0 : i32
      %add3A_36 = arith.addi %mul3A_34, %add3A_35 : i32
      %mul3A_37 = arith.constant 128 : i32
      %mul3A_38 = arith.muli %add3A_36, %mul3A_37 : i32
      %add3A_39 = arith.addi %mul3A_2, %mul3A_38 : i32
      %dma_wait3A_40 = arith.constant 0 : i32
      %dma_wait3A_41 = tpu.memref_slice %arg2[%dma_wait3A_40, %add3A_39] : memref<200x16384xi32, #tpu.memory_space<hbm>> -> memref<200x128xi32, #tpu.memory_space<hbm>>
      %dma_wait3A_42 = arith.constant 0 : i32
      %dma_wait3A_43 = tpu.memref_slice %arg2[%dma_wait3A_42, %add3A_39] : memref<200x16384xi32, #tpu.memory_space<hbm>> -> memref<200x128xi32, #tpu.memory_space<hbm>>
      tpu.wait_dma2 semaphore(%arg11 : memref<!tpu.dma_semaphore, #tpu.memory_space<semaphore_mem>>) src(%dma_wait3A_43 : memref<200x128xi32, #tpu.memory_space<hbm>>) dst(%arg7 : memref<200x128xi32, #tpu.memory_space<vmem>>)
      %gt3A = arith.constant 0 : i32
      %gt3A_44 = arith.cmpi sgt, %scan3A_32, %gt3A : i32
      %convert_element_type3A = arith.extui %gt3A_44 : i1 to i32
      %cond3A = arith.constant 0 : i32
      %cond3A_45 = arith.cmpi ne, %convert_element_type3A, %cond3A : i32
      scf.if %cond3A_45 {
        %dma_wait3A_89 = arith.constant 0 : i32
        %dma_wait3A_90 = tpu.memref_slice %arg4[%dma_wait3A_89, %add3A_39] : memref<200x16384xf32, #tpu.memory_space<hbm>> -> memref<200x128xf32, #tpu.memory_space<hbm>>
        %dma_wait3A_91 = arith.constant 0 : i32
        %dma_wait3A_92 = tpu.memref_slice %arg4[%dma_wait3A_91, %add3A_39] : memref<200x16384xf32, #tpu.memory_space<hbm>> -> memref<200x128xf32, #tpu.memory_space<hbm>>
        tpu.wait_dma2 semaphore(%arg13 : memref<!tpu.dma_semaphore, #tpu.memory_space<semaphore_mem>>) src(%arg9 : memref<200x128xf32, #tpu.memory_space<vmem>>) dst(%dma_wait3A_92 : memref<200x128xf32, #tpu.memory_space<hbm>>)
      } else {
      }
      %parallel_loop3A_46 = arith.constant 0 : i32
      %parallel_loop3A_47 = arith.constant 200 : i32
      %parallel_loop3A_48 = arith.constant 1 : i32
      scf.for %parallel_loop3A_89 = %parallel_loop3A_46 to %parallel_loop3A_47 step %parallel_loop3A_48  : i32 {
        %parallel_loop3A_90 = arith.index_cast %parallel_loop3A_89 : i32 to index
        %parallel_loop3A_91 = arith.constant 0 : index
        %parallel_loop3A_92 = tpu.vector_load %arg7[%parallel_loop3A_90, %parallel_loop3A_91] {strides = array<i32>} : memref<200x128xi32, #tpu.memory_space<vmem>>, vector<16xi32>,
        %parallel_loop3A_93 = tpu.vector_load_idx %arg6[%parallel_loop3A_92] : memref<1024xf32, #tpu.memory_space<vmem>>[vector<16xi32>], vector<16xf32>,
        %parallel_loop3A_94 = arith.index_cast %parallel_loop3A_89 : i32 to index
        %parallel_loop3A_95 = arith.constant 0 : index
        %parallel_loop3A_96 = tpu.vector_load %arg9[%parallel_loop3A_94, %parallel_loop3A_95] {strides = array<i32>} : memref<200x128xf32, #tpu.memory_space<vmem>>, vector<16xf32>,
        tpu.vector_store %arg9[%parallel_loop3A_94, %parallel_loop3A_95], %parallel_loop3A_93 {strides = array<i32>} : memref<200x128xf32, #tpu.memory_space<vmem>>, vector<16xf32>,
        %parallel_loop3A_97 = arith.index_cast %parallel_loop3A_89 : i32 to index
        %parallel_loop3A_98 = arith.constant 16 : index
        %parallel_loop3A_99 = tpu.vector_load %arg7[%parallel_loop3A_97, %parallel_loop3A_98] {strides = array<i32>} : memref<200x128xi32, #tpu.memory_space<vmem>>, vector<16xi32>,
        %parallel_loop3A_100 = tpu.vector_load_idx %arg6[%parallel_loop3A_99] : memref<1024xf32, #tpu.memory_space<vmem>>[vector<16xi32>], vector<16xf32>,
        %parallel_loop3A_101 = arith.index_cast %parallel_loop3A_89 : i32 to index
        %parallel_loop3A_102 = arith.constant 16 : index
        %parallel_loop3A_103 = tpu.vector_load %arg9[%parallel_loop3A_101, %parallel_loop3A_102] {strides = array<i32>} : memref<200x128xf32, #tpu.memory_space<vmem>>, vector<16xf32>,
        tpu.vector_store %arg9[%parallel_loop3A_101, %parallel_loop3A_102], %parallel_loop3A_100 {strides = array<i32>} : memref<200x128xf32, #tpu.memory_space<vmem>>, vector<16xf32>,
        %parallel_loop3A_104 = arith.index_cast %parallel_loop3A_89 : i32 to index
        %parallel_loop3A_105 = arith.constant 32 : index
        %parallel_loop3A_106 = tpu.vector_load %arg7[%parallel_loop3A_104, %parallel_loop3A_105] {strides = array<i32>} : memref<200x128xi32, #tpu.memory_space<vmem>>, vector<16xi32>,
        %parallel_loop3A_107 = tpu.vector_load_idx %arg6[%parallel_loop3A_106] : memref<1024xf32, #tpu.memory_space<vmem>>[vector<16xi32>], vector<16xf32>,
        %parallel_loop3A_108 = arith.index_cast %parallel_loop3A_89 : i32 to index
        %parallel_loop3A_109 = arith.constant 32 : index
        %parallel_loop3A_110 = tpu.vector_load %arg9[%parallel_loop3A_108, %parallel_loop3A_109] {strides = array<i32>} : memref<200x128xf32, #tpu.memory_space<vmem>>, vector<16xf32>,
        tpu.vector_store %arg9[%parallel_loop3A_108, %parallel_loop3A_109], %parallel_loop3A_107 {strides = array<i32>} : memref<200x128xf32, #tpu.memory_space<vmem>>, vector<16xf32>,
        %parallel_loop3A_111 = arith.index_cast %parallel_loop3A_89 : i32 to index
        %parallel_loop3A_112 = arith.constant 48 : index
        %parallel_loop3A_113 = tpu.vector_load %arg7[%parallel_loop3A_111, %parallel_loop3A_112] {strides = array<i32>} : memref<200x128xi32, #tpu.memory_space<vmem>>, vector<16xi32>,
        %parallel_loop3A_114 = tpu.vector_load_idx %arg6[%parallel_loop3A_113] : memref<1024xf32, #tpu.memory_space<vmem>>[vector<16xi32>], vector<16xf32>,
        %parallel_loop3A_115 = arith.index_cast %parallel_loop3A_89 : i32 to index
        %parallel_loop3A_116 = arith.constant 48 : index
        %parallel_loop3A_117 = tpu.vector_load %arg9[%parallel_loop3A_115, %parallel_loop3A_116] {strides = array<i32>} : memref<200x128xf32, #tpu.memory_space<vmem>>, vector<16xf32>,
        tpu.vector_store %arg9[%parallel_loop3A_115, %parallel_loop3A_116], %parallel_loop3A_114 {strides = array<i32>} : memref<200x128xf32, #tpu.memory_space<vmem>>, vector<16xf32>,
        %parallel_loop3A_118 = arith.index_cast %parallel_loop3A_89 : i32 to index
        %parallel_loop3A_119 = arith.constant 64 : index
        %parallel_loop3A_120 = tpu.vector_load %arg7[%parallel_loop3A_118, %parallel_loop3A_119] {strides = array<i32>} : memref<200x128xi32, #tpu.memory_space<vmem>>, vector<16xi32>,
        %parallel_loop3A_121 = tpu.vector_load_idx %arg6[%parallel_loop3A_120] : memref<1024xf32, #tpu.memory_space<vmem>>[vector<16xi32>], vector<16xf32>,
        %parallel_loop3A_122 = arith.index_cast %parallel_loop3A_89 : i32 to index
        %parallel_loop3A_123 = arith.constant 64 : index
        %parallel_loop3A_124 = tpu.vector_load %arg9[%parallel_loop3A_122, %parallel_loop3A_123] {strides = array<i32>} : memref<200x128xf32, #tpu.memory_space<vmem>>, vector<16xf32>,
        tpu.vector_store %arg9[%parallel_loop3A_122, %parallel_loop3A_123], %parallel_loop3A_121 {strides = array<i32>} : memref<200x128xf32, #tpu.memory_space<vmem>>, vector<16xf32>,
        %parallel_loop3A_125 = arith.index_cast %parallel_loop3A_89 : i32 to index
        %parallel_loop3A_126 = arith.constant 80 : index
        %parallel_loop3A_127 = tpu.vector_load %arg7[%parallel_loop3A_125, %parallel_loop3A_126] {strides = array<i32>} : memref<200x128xi32, #tpu.memory_space<vmem>>, vector<16xi32>,
        %parallel_loop3A_128 = tpu.vector_load_idx %arg6[%parallel_loop3A_127] : memref<1024xf32, #tpu.memory_space<vmem>>[vector<16xi32>], vector<16xf32>,
        %parallel_loop3A_129 = arith.index_cast %parallel_loop3A_89 : i32 to index
        %parallel_loop3A_130 = arith.constant 80 : index
        %parallel_loop3A_131 = tpu.vector_load %arg9[%parallel_loop3A_129, %parallel_loop3A_130] {strides = array<i32>} : memref<200x128xf32, #tpu.memory_space<vmem>>, vector<16xf32>,
        tpu.vector_store %arg9[%parallel_loop3A_129, %parallel_loop3A_130], %parallel_loop3A_128 {strides = array<i32>} : memref<200x128xf32, #tpu.memory_space<vmem>>, vector<16xf32>,
        %parallel_loop3A_132 = arith.index_cast %parallel_loop3A_89 : i32 to index
        %parallel_loop3A_133 = arith.constant 96 : index
        %parallel_loop3A_134 = tpu.vector_load %arg7[%parallel_loop3A_132, %parallel_loop3A_133] {strides = array<i32>} : memref<200x128xi32, #tpu.memory_space<vmem>>, vector<16xi32>,
        %parallel_loop3A_135 = tpu.vector_load_idx %arg6[%parallel_loop3A_134] : memref<1024xf32, #tpu.memory_space<vmem>>[vector<16xi32>], vector<16xf32>,
        %parallel_loop3A_136 = arith.index_cast %parallel_loop3A_89 : i32 to index
        %parallel_loop3A_137 = arith.constant 96 : index
        %parallel_loop3A_138 = tpu.vector_load %arg9[%parallel_loop3A_136, %parallel_loop3A_137] {strides = array<i32>} : memref<200x128xf32, #tpu.memory_space<vmem>>, vector<16xf32>,
        tpu.vector_store %arg9[%parallel_loop3A_136, %parallel_loop3A_137], %parallel_loop3A_135 {strides = array<i32>} : memref<200x128xf32, #tpu.memory_space<vmem>>, vector<16xf32>,
        %parallel_loop3A_139 = arith.index_cast %parallel_loop3A_89 : i32 to index
        %parallel_loop3A_140 = arith.constant 112 : index
        %parallel_loop3A_141 = tpu.vector_load %arg7[%parallel_loop3A_139, %parallel_loop3A_140] {strides = array<i32>} : memref<200x128xi32, #tpu.memory_space<vmem>>, vector<16xi32>,
        %parallel_loop3A_142 = tpu.vector_load_idx %arg6[%parallel_loop3A_141] : memref<1024xf32, #tpu.memory_space<vmem>>[vector<16xi32>], vector<16xf32>,
        %parallel_loop3A_143 = arith.index_cast %parallel_loop3A_89 : i32 to index
        %parallel_loop3A_144 = arith.constant 112 : index
        %parallel_loop3A_145 = tpu.vector_load %arg9[%parallel_loop3A_143, %parallel_loop3A_144] {strides = array<i32>} : memref<200x128xf32, #tpu.memory_space<vmem>>, vector<16xf32>,
        tpu.vector_store %arg9[%parallel_loop3A_143, %parallel_loop3A_144], %parallel_loop3A_142 {strides = array<i32>} : memref<200x128xf32, #tpu.memory_space<vmem>>, vector<16xf32>,
      } {sc.loop_unroll_factor = 1 : i64, sc.parallel_access}
      %dma_start3A_49 = arith.constant 0 : i32
      %dma_start3A_50 = tpu.memref_slice %arg4[%dma_start3A_49, %add3A_39] : memref<200x16384xf32, #tpu.memory_space<hbm>> -> memref<200x128xf32, #tpu.memory_space<hbm>>
      %dma_start3A_51 = arith.constant 0 : i32
      %dma_start3A_52 = tpu.memref_slice %arg4[%dma_start3A_51, %add3A_39] : memref<200x16384xf32, #tpu.memory_space<hbm>> -> memref<200x128xf32, #tpu.memory_space<hbm>>
      tpu.enqueue_dma source(%arg9 : memref<200x128xf32, #tpu.memory_space<vmem>>) target(%dma_start3A_52 : memref<200x128xf32, #tpu.memory_space<hbm>>) target_semaphore(%arg13 : memref<!tpu.dma_semaphore, #tpu.memory_space<semaphore_mem>>)
      %add3A_53 = arith.constant 2 : i32
      %add3A_54 = arith.addi %add3A_36, %add3A_53 : i32
      %lt3A = arith.constant 4 : i32
      %lt3A_55 = arith.cmpi slt, %add3A_54, %lt3A : i32
      %convert_element_type3A_56 = arith.extui %lt3A_55 : i1 to i32
      %cond3A_57 = arith.constant 0 : i32
      %cond3A_58 = arith.cmpi ne, %convert_element_type3A_56, %cond3A_57 : i32
      scf.if %cond3A_58 {
        %add3A_89 = arith.constant 256 : i32
        %add3A_90 = arith.addi %add3A_39, %add3A_89 : i32
        %dma_start3A_91 = arith.constant 0 : i32
        %dma_start3A_92 = tpu.memref_slice %arg2[%dma_start3A_91, %add3A_90] : memref<200x16384xi32, #tpu.memory_space<hbm>> -> memref<200x128xi32, #tpu.memory_space<hbm>>
        %dma_start3A_93 = arith.constant 0 : i32
        %dma_start3A_94 = tpu.memref_slice %arg2[%dma_start3A_93, %add3A_90] : memref<200x16384xi32, #tpu.memory_space<hbm>> -> memref<200x128xi32, #tpu.memory_space<hbm>>
        tpu.enqueue_dma source(%dma_start3A_94 : memref<200x128xi32, #tpu.memory_space<hbm>>) target(%arg7 : memref<200x128xi32, #tpu.memory_space<vmem>>) target_semaphore(%arg11 : memref<!tpu.dma_semaphore, #tpu.memory_space<semaphore_mem>>)
      } else {
      }
      %mul3A_59 = arith.constant 2 : i32
      %mul3A_60 = arith.muli %scan3A_32, %mul3A_59 : i32
      %add3A_61 = arith.constant 1 : i32
      %add3A_62 = arith.addi %mul3A_60, %add3A_61 : i32
      %mul3A_63 = arith.constant 128 : i32
      %mul3A_64 = arith.muli %add3A_62, %mul3A_63 : i32
      %add3A_65 = arith.addi %mul3A_2, %mul3A_64 : i32
      %dma_wait3A_66 = arith.constant 0 : i32
      %dma_wait3A_67 = tpu.memref_slice %arg2[%dma_wait3A_66, %add3A_65] : memref<200x16384xi32, #tpu.memory_space<hbm>> -> memref<200x128xi32, #tpu.memory_space<hbm>>
      %dma_wait3A_68 = arith.constant 0 : i32
      %dma_wait3A_69 = tpu.memref_slice %arg2[%dma_wait3A_68, %add3A_65] : memref<200x16384xi32, #tpu.memory_space<hbm>> -> memref<200x128xi32, #tpu.memory_space<hbm>>
      tpu.wait_dma2 semaphore(%arg12 : memref<!tpu.dma_semaphore, #tpu.memory_space<semaphore_mem>>) src(%dma_wait3A_69 : memref<200x128xi32, #tpu.memory_space<hbm>>) dst(%arg8 : memref<200x128xi32, #tpu.memory_space<vmem>>)
      %gt3A_70 = arith.constant 0 : i32
      %gt3A_71 = arith.cmpi sgt, %scan3A_32, %gt3A_70 : i32
      %convert_element_type3A_72 = arith.extui %gt3A_71 : i1 to i32
      %cond3A_73 = arith.constant 0 : i32
      %cond3A_74 = arith.cmpi ne, %convert_element_type3A_72, %cond3A_73 : i32
      scf.if %cond3A_74 {
        %dma_wait3A_89 = arith.constant 0 : i32
        %dma_wait3A_90 = tpu.memref_slice %arg4[%dma_wait3A_89, %add3A_65] : memref<200x16384xf32, #tpu.memory_space<hbm>> -> memref<200x128xf32, #tpu.memory_space<hbm>>
        %dma_wait3A_91 = arith.constant 0 : i32
        %dma_wait3A_92 = tpu.memref_slice %arg4[%dma_wait3A_91, %add3A_65] : memref<200x16384xf32, #tpu.memory_space<hbm>> -> memref<200x128xf32, #tpu.memory_space<hbm>>
        tpu.wait_dma2 semaphore(%arg14 : memref<!tpu.dma_semaphore, #tpu.memory_space<semaphore_mem>>) src(%arg10 : memref<200x128xf32, #tpu.memory_space<vmem>>) dst(%dma_wait3A_92 : memref<200x128xf32, #tpu.memory_space<hbm>>)
      } else {
      }
      %parallel_loop3A_75 = arith.constant 0 : i32
      %parallel_loop3A_76 = arith.constant 200 : i32
      %parallel_loop3A_77 = arith.constant 1 : i32
      scf.for %parallel_loop3A_89 = %parallel_loop3A_75 to %parallel_loop3A_76 step %parallel_loop3A_77  : i32 {
        %parallel_loop3A_90 = arith.index_cast %parallel_loop3A_89 : i32 to index
        %parallel_loop3A_91 = arith.constant 0 : index
        %parallel_loop3A_92 = tpu.vector_load %arg8[%parallel_loop3A_90, %parallel_loop3A_91] {strides = array<i32>} : memref<200x128xi32, #tpu.memory_space<vmem>>, vector<16xi32>,
        %parallel_loop3A_93 = tpu.vector_load_idx %arg6[%parallel_loop3A_92] : memref<1024xf32, #tpu.memory_space<vmem>>[vector<16xi32>], vector<16xf32>,
        %parallel_loop3A_94 = arith.index_cast %parallel_loop3A_89 : i32 to index
        %parallel_loop3A_95 = arith.constant 0 : index
        %parallel_loop3A_96 = tpu.vector_load %arg10[%parallel_loop3A_94, %parallel_loop3A_95] {strides = array<i32>} : memref<200x128xf32, #tpu.memory_space<vmem>>, vector<16xf32>,
        tpu.vector_store %arg10[%parallel_loop3A_94, %parallel_loop3A_95], %parallel_loop3A_93 {strides = array<i32>} : memref<200x128xf32, #tpu.memory_space<vmem>>, vector<16xf32>,
        %parallel_loop3A_97 = arith.index_cast %parallel_loop3A_89 : i32 to index
        %parallel_loop3A_98 = arith.constant 16 : index
        %parallel_loop3A_99 = tpu.vector_load %arg8[%parallel_loop3A_97, %parallel_loop3A_98] {strides = array<i32>} : memref<200x128xi32, #tpu.memory_space<vmem>>, vector<16xi32>,
        %parallel_loop3A_100 = tpu.vector_load_idx %arg6[%parallel_loop3A_99] : memref<1024xf32, #tpu.memory_space<vmem>>[vector<16xi32>], vector<16xf32>,
        %parallel_loop3A_101 = arith.index_cast %parallel_loop3A_89 : i32 to index
        %parallel_loop3A_102 = arith.constant 16 : index
        %parallel_loop3A_103 = tpu.vector_load %arg10[%parallel_loop3A_101, %parallel_loop3A_102] {strides = array<i32>} : memref<200x128xf32, #tpu.memory_space<vmem>>, vector<16xf32>,
        tpu.vector_store %arg10[%parallel_loop3A_101, %parallel_loop3A_102], %parallel_loop3A_100 {strides = array<i32>} : memref<200x128xf32, #tpu.memory_space<vmem>>, vector<16xf32>,
        %parallel_loop3A_104 = arith.index_cast %parallel_loop3A_89 : i32 to index
        %parallel_loop3A_105 = arith.constant 32 : index
        %parallel_loop3A_106 = tpu.vector_load %arg8[%parallel_loop3A_104, %parallel_loop3A_105] {strides = array<i32>} : memref<200x128xi32, #tpu.memory_space<vmem>>, vector<16xi32>,
        %parallel_loop3A_107 = tpu.vector_load_idx %arg6[%parallel_loop3A_106] : memref<1024xf32, #tpu.memory_space<vmem>>[vector<16xi32>], vector<16xf32>,
        %parallel_loop3A_108 = arith.index_cast %parallel_loop3A_89 : i32 to index
        %parallel_loop3A_109 = arith.constant 32 : index
        %parallel_loop3A_110 = tpu.vector_load %arg10[%parallel_loop3A_108, %parallel_loop3A_109] {strides = array<i32>} : memref<200x128xf32, #tpu.memory_space<vmem>>, vector<16xf32>,
        tpu.vector_store %arg10[%parallel_loop3A_108, %parallel_loop3A_109], %parallel_loop3A_107 {strides = array<i32>} : memref<200x128xf32, #tpu.memory_space<vmem>>, vector<16xf32>,
        %parallel_loop3A_111 = arith.index_cast %parallel_loop3A_89 : i32 to index
        %parallel_loop3A_112 = arith.constant 48 : index
        %parallel_loop3A_113 = tpu.vector_load %arg8[%parallel_loop3A_111, %parallel_loop3A_112] {strides = array<i32>} : memref<200x128xi32, #tpu.memory_space<vmem>>, vector<16xi32>,
        %parallel_loop3A_114 = tpu.vector_load_idx %arg6[%parallel_loop3A_113] : memref<1024xf32, #tpu.memory_space<vmem>>[vector<16xi32>], vector<16xf32>,
        %parallel_loop3A_115 = arith.index_cast %parallel_loop3A_89 : i32 to index
        %parallel_loop3A_116 = arith.constant 48 : index
        %parallel_loop3A_117 = tpu.vector_load %arg10[%parallel_loop3A_115, %parallel_loop3A_116] {strides = array<i32>} : memref<200x128xf32, #tpu.memory_space<vmem>>, vector<16xf32>,
        tpu.vector_store %arg10[%parallel_loop3A_115, %parallel_loop3A_116], %parallel_loop3A_114 {strides = array<i32>} : memref<200x128xf32, #tpu.memory_space<vmem>>, vector<16xf32>,
        %parallel_loop3A_118 = arith.index_cast %parallel_loop3A_89 : i32 to index
        %parallel_loop3A_119 = arith.constant 64 : index
        %parallel_loop3A_120 = tpu.vector_load %arg8[%parallel_loop3A_118, %parallel_loop3A_119] {strides = array<i32>} : memref<200x128xi32, #tpu.memory_space<vmem>>, vector<16xi32>,
        %parallel_loop3A_121 = tpu.vector_load_idx %arg6[%parallel_loop3A_120] : memref<1024xf32, #tpu.memory_space<vmem>>[vector<16xi32>], vector<16xf32>,
        %parallel_loop3A_122 = arith.index_cast %parallel_loop3A_89 : i32 to index
        %parallel_loop3A_123 = arith.constant 64 : index
        %parallel_loop3A_124 = tpu.vector_load %arg10[%parallel_loop3A_122, %parallel_loop3A_123] {strides = array<i32>} : memref<200x128xf32, #tpu.memory_space<vmem>>, vector<16xf32>,
        tpu.vector_store %arg10[%parallel_loop3A_122, %parallel_loop3A_123], %parallel_loop3A_121 {strides = array<i32>} : memref<200x128xf32, #tpu.memory_space<vmem>>, vector<16xf32>,
        %parallel_loop3A_125 = arith.index_cast %parallel_loop3A_89 : i32 to index
        %parallel_loop3A_126 = arith.constant 80 : index
        %parallel_loop3A_127 = tpu.vector_load %arg8[%parallel_loop3A_125, %parallel_loop3A_126] {strides = array<i32>} : memref<200x128xi32, #tpu.memory_space<vmem>>, vector<16xi32>,
        %parallel_loop3A_128 = tpu.vector_load_idx %arg6[%parallel_loop3A_127] : memref<1024xf32, #tpu.memory_space<vmem>>[vector<16xi32>], vector<16xf32>,
        %parallel_loop3A_129 = arith.index_cast %parallel_loop3A_89 : i32 to index
        %parallel_loop3A_130 = arith.constant 80 : index
        %parallel_loop3A_131 = tpu.vector_load %arg10[%parallel_loop3A_129, %parallel_loop3A_130] {strides = array<i32>} : memref<200x128xf32, #tpu.memory_space<vmem>>, vector<16xf32>,
        tpu.vector_store %arg10[%parallel_loop3A_129, %parallel_loop3A_130], %parallel_loop3A_128 {strides = array<i32>} : memref<200x128xf32, #tpu.memory_space<vmem>>, vector<16xf32>,
        %parallel_loop3A_132 = arith.index_cast %parallel_loop3A_89 : i32 to index
        %parallel_loop3A_133 = arith.constant 96 : index
        %parallel_loop3A_134 = tpu.vector_load %arg8[%parallel_loop3A_132, %parallel_loop3A_133] {strides = array<i32>} : memref<200x128xi32, #tpu.memory_space<vmem>>, vector<16xi32>,
        %parallel_loop3A_135 = tpu.vector_load_idx %arg6[%parallel_loop3A_134] : memref<1024xf32, #tpu.memory_space<vmem>>[vector<16xi32>], vector<16xf32>,
        %parallel_loop3A_136 = arith.index_cast %parallel_loop3A_89 : i32 to index
        %parallel_loop3A_137 = arith.constant 96 : index
        %parallel_loop3A_138 = tpu.vector_load %arg10[%parallel_loop3A_136, %parallel_loop3A_137] {strides = array<i32>} : memref<200x128xf32, #tpu.memory_space<vmem>>, vector<16xf32>,
        tpu.vector_store %arg10[%parallel_loop3A_136, %parallel_loop3A_137], %parallel_loop3A_135 {strides = array<i32>} : memref<200x128xf32, #tpu.memory_space<vmem>>, vector<16xf32>,
        %parallel_loop3A_139 = arith.index_cast %parallel_loop3A_89 : i32 to index
        %parallel_loop3A_140 = arith.constant 112 : index
        %parallel_loop3A_141 = tpu.vector_load %arg8[%parallel_loop3A_139, %parallel_loop3A_140] {strides = array<i32>} : memref<200x128xi32, #tpu.memory_space<vmem>>, vector<16xi32>,
        %parallel_loop3A_142 = tpu.vector_load_idx %arg6[%parallel_loop3A_141] : memref<1024xf32, #tpu.memory_space<vmem>>[vector<16xi32>], vector<16xf32>,
        %parallel_loop3A_143 = arith.index_cast %parallel_loop3A_89 : i32 to index
        %parallel_loop3A_144 = arith.constant 112 : index
        %parallel_loop3A_145 = tpu.vector_load %arg10[%parallel_loop3A_143, %parallel_loop3A_144] {strides = array<i32>} : memref<200x128xf32, #tpu.memory_space<vmem>>, vector<16xf32>,
        tpu.vector_store %arg10[%parallel_loop3A_143, %parallel_loop3A_144], %parallel_loop3A_142 {strides = array<i32>} : memref<200x128xf32, #tpu.memory_space<vmem>>, vector<16xf32>,
      } {sc.loop_unroll_factor = 1 : i64, sc.parallel_access}
      %dma_start3A_78 = arith.constant 0 : i32
      %dma_start3A_79 = tpu.memref_slice %arg4[%dma_start3A_78, %add3A_65] : memref<200x16384xf32, #tpu.memory_space<hbm>> -> memref<200x128xf32, #tpu.memory_space<hbm>>
      %dma_start3A_80 = arith.constant 0 : i32
      %dma_start3A_81 = tpu.memref_slice %arg4[%dma_start3A_80, %add3A_65] : memref<200x16384xf32, #tpu.memory_space<hbm>> -> memref<200x128xf32, #tpu.memory_space<hbm>>
      tpu.enqueue_dma source(%arg10 : memref<200x128xf32, #tpu.memory_space<vmem>>) target(%dma_start3A_81 : memref<200x128xf32, #tpu.memory_space<hbm>>) target_semaphore(%arg14 : memref<!tpu.dma_semaphore, #tpu.memory_space<semaphore_mem>>)
      %add3A_82 = arith.constant 2 : i32
      %add3A_83 = arith.addi %add3A_62, %add3A_82 : i32
      %lt3A_84 = arith.constant 4 : i32
      %lt3A_85 = arith.cmpi slt, %add3A_83, %lt3A_84 : i32
      %convert_element_type3A_86 = arith.extui %lt3A_85 : i1 to i32
      %cond3A_87 = arith.constant 0 : i32
      %cond3A_88 = arith.cmpi ne, %convert_element_type3A_86, %cond3A_87 : i32
      scf.if %cond3A_88 {
        %add3A_89 = arith.constant 256 : i32
        %add3A_90 = arith.addi %add3A_65, %add3A_89 : i32
        %dma_start3A_91 = arith.constant 0 : i32
        %dma_start3A_92 = tpu.memref_slice %arg2[%dma_start3A_91, %add3A_90] : memref<200x16384xi32, #tpu.memory_space<hbm>> -> memref<200x128xi32, #tpu.memory_space<hbm>>
        %dma_start3A_93 = arith.constant 0 : i32
        %dma_start3A_94 = tpu.memref_slice %arg2[%dma_start3A_93, %add3A_90] : memref<200x16384xi32, #tpu.memory_space<hbm>> -> memref<200x128xi32, #tpu.memory_space<hbm>>
        tpu.enqueue_dma source(%dma_start3A_94 : memref<200x128xi32, #tpu.memory_space<hbm>>) target(%arg8 : memref<200x128xi32, #tpu.memory_space<vmem>>) target_semaphore(%arg12 : memref<!tpu.dma_semaphore, #tpu.memory_space<semaphore_mem>>)
      } else {
      }
    }
    %scan3A_20 = arith.constant 2 : i32
    %add3A_21 = arith.constant 256 : i32
    %add3A_22 = arith.addi %mul3A_2, %add3A_21 : i32
    %dma_wait3A = arith.constant 0 : i32
    %dma_wait3A_23 = tpu.memref_slice %arg4[%dma_wait3A, %add3A_22] : memref<200x16384xf32, #tpu.memory_space<hbm>> -> memref<200x128xf32, #tpu.memory_space<hbm>>
    %dma_wait3A_24 = arith.constant 0 : i32
    %dma_wait3A_25 = tpu.memref_slice %arg4[%dma_wait3A_24, %add3A_22] : memref<200x16384xf32, #tpu.memory_space<hbm>> -> memref<200x128xf32, #tpu.memory_space<hbm>>
    tpu.wait_dma2 semaphore(%arg13 : memref<!tpu.dma_semaphore, #tpu.memory_space<semaphore_mem>>) src(%arg9 : memref<200x128xf32, #tpu.memory_space<vmem>>) dst(%dma_wait3A_25 : memref<200x128xf32, #tpu.memory_space<hbm>>)
    %add3A_26 = arith.constant 384 : i32
    %add3A_27 = arith.addi %mul3A_2, %add3A_26 : i32
    %dma_wait3A_28 = arith.constant 0 : i32
    %dma_wait3A_29 = tpu.memref_slice %arg4[%dma_wait3A_28, %add3A_27] : memref<200x16384xf32, #tpu.memory_space<hbm>> -> memref<200x128xf32, #tpu.memory_space<hbm>>
    %dma_wait3A_30 = arith.constant 0 : i32
    %dma_wait3A_31 = tpu.memref_slice %arg4[%dma_wait3A_30, %add3A_27] : memref<200x16384xf32, #tpu.memory_space<hbm>> -> memref<200x128xf32, #tpu.memory_space<hbm>>
    tpu.wait_dma2 semaphore(%arg14 : memref<!tpu.dma_semaphore, #tpu.memory_space<semaphore_mem>>) src(%arg10 : memref<200x128xf32, #tpu.memory_space<vmem>>) dst(%dma_wait3A_31 : memref<200x128xf32, #tpu.memory_space<hbm>>)
    return
  }
}

</mosaic_0001>

<sc_bundles>
// kernel: kernel.3.cloned.1.call-start
scs
__scs_entry_jumppad:
0x0: {  	(pc) =	sbr.rel $0x88, $3  }
0x1: {  	(tag) =	ssettag $0x0;
	lr =	simm.s32 $0x1  }
0x2: {  	[smem:$0x3F9F] =	sst lr;
	_ =	strace $0xD0000000  }
0x3: {  	_ = 	snop  }
0x4: {  	_ = 	snop  }
0x5: {  	_ = 	snop  }
0x6: {  	_ = 	snop  }
0x7: {  	_ = 	snop  }
__scs_overlays_trampoline_lowered:
0x8: {  	[smem:$0x3FAE] =	sst s0  }
0x9: {  	[smem:$0x3FAF] =	sst s1  }
0xa: {  	[smem:$0x3FB0] =	sst s2  }
0xb: {  	[smem:$0x3FB1] =	sst s3  }
0xc: {  	[smem:$0x3FB2] =	sst s4  }
0xd: {  	[smem:$0x3FB3] =	sst s5  }
0xe: {  	[smem:$0x3FB4] =	sst s6  }
0xf: {  	[smem:$0x3FB5] =	sst s7  }
0x10: {  	[smem:$0x3FB6] =	sst s8  }
0x11: {  	[smem:$0x3FB7] =	sst s9;
	s0 =	simm.s32 @!p0 $0x0  }
0x12: {  	s1 =	sld [smem:$0x3F9D];
	s0 =	simm.s32 @p0 $0x1  }
0x13: {  	[smem:$0x3FB8] =	sst s0;
	s0 =	simm.s32 @!p1 $0x0  }
0x14: {  	s2 =	sld [smem:$0x3F9C];
	s0 =	simm.s32 @p1 $0x1  }
0x15: {  	[smem:$0x3FB9] =	sst s0;
	s0 =	simm.s32 @!p2 $0x0  }
0x16: {  	s3 =	sld [smem:$0x3FDB];
	s0 =	simm.s32 @p2 $0x1  }
0x17: {  	s4 =	simm.s32 $0x1BF5;
	[smem:$0x3FBB] =	sst s0  }
0x18: {  	s0 =	sld [smem:$0x3F9E];
	_ =	swait.ge [sflag:s4], $0x0  }
0x19: {  	s7 =	sld [smem:$0x3F9F]  }
0x1a: {  	s8 =	sadd.s32 $0xFFFFE003, lr  }
0x1b: {  	s9 =	sadd.s32 $0xFFFFFEF7, lr;
	s5 =	simm.s32 $0xFFFFFFFF;
	p2 =	slt.u32 s8, $0xFFFFF086  }
0x1c: {  	p1 =	slt.u32 s9, $0xF7A;
	s5 =	simm.s32 @!p2 $0x0  }
0x1d: {  	s5 =	simm.s32 @p1 $0x1;
	p0 =	seq.s32 s7, s2  }
0x1e: {  	s7 =	smul.u32 @!p0 $0xF7A, s2;
	p2 =	seq.s32 @!p0 s5, $0x0  }
0x1f: {  	s9 =	smul.u32 $0xF7A, s1;
	s8 =	simm.s32 @!p0 $0x1BF5;
	p2 =	por !p2, p0  }
0x20: {  	[sflag:s8] =	ssyncset.s32 @!p0 $0xFFFFF086;
	s6 =	sadd.s32 @!p0 s3, s7;
	s7 =	simm.s32 @!p0 $0x108  }
0x21: {  	s3 =	sadd.s32 s3, s9;
	s6 =	sadd.s32 @!p0 $0x88, s6;
	s7 =	simm.s32 @p2 $0x1082  }
0x22: {  	[simem:s7], [sflag:s8] =	dma.local @!p0 [hbm:s6], $0xF7A  }
0x23: {  	s9 =	sor.u32 $0xD0000000, s2;
	s6 =	simm.s32 $0x108;
	_ =	swait.ge @!p0 [sflag:s8], $0x0  }
0x24: {  	s3 =	sadd.s32 $0x88, s3;
	s6 =	simm.s32 @!p1 $0x1082;
	[sflag:s4] =	ssyncset.s32 $0xFFFFF086  }
0x25: {  	[simem:s6], [sflag:s4] =	dma.local [hbm:s3], $0xF7A  }
0x26: {  	[smem:$0x3F9F] =	sst s1;
	(tag) =	ssettag s2;
	_ =	strace s9  }
0x27: {  	s1 =	sld [smem:$0x3FAF]  }
0x28: {  	s2 =	sld [smem:$0x3FB0]  }
0x29: {  	s4 =	sld [smem:$0x3FB2]  }
0x2a: {  	p0 =	seq.s32 s5, $0x0;
	s5 =	sld [smem:$0x3FB3]  }
0x2b: {  	s6 =	sld [smem:$0x3FB4]  }
0x2c: {  	s7 =	sld [smem:$0x3FB5]  }
0x2d: {  	s3 =	simm.s32 $0x108;
	s8 =	sld [smem:$0x3FB6]  }
0x2e: {  	s3 =	simm.s32 @!p0 $0x1082;
	s9 =	sld [smem:$0x3FB7]  }
0x2f: {  	lr =	sadd.s32 s0, s3;
	s0 =	sld [smem:$0x3FAE]  }
0x30: {  	s3 =	sld [smem:$0x3FB1]  }
0x31: {  	[smem:$0x3FBA] =	sst s10  }
0x32: {  	s10 =	sld [smem:$0x3FB8];
	_ =	sdelay $0x3  }
0x33: {  	p0 =	seq.s32 s10, $0x1;
	s10 =	sld [smem:$0x3FBA];
	_ =	sdelay $0x3  }
0x34: {  	[smem:$0x3FBA] =	sst s10  }
0x35: {  	s10 =	sld [smem:$0x3FB9];
	_ =	sdelay $0x3  }
0x36: {  	p1 =	seq.s32 s10, $0x1;
	s10 =	sld [smem:$0x3FBA];
	_ =	sdelay $0x3  }
0x37: {  	[smem:$0x3FBA] =	sst s10  }
0x38: {  	s10 =	sld [smem:$0x3FBB]  }
0x39: {  	_ = 	snop;
	(pc) =	sbr.ind lr, $3  }
0x3a: {  	_ = 	snop  }
0x3b: {  	_ = 	snop  }
0x3c: {  	p2 =	seq.s32 s10, $0x1;
	s10 =	sld [smem:$0x3FBA]  }
0x3d: {  	_ =	shalt  }
0x3e: {  	_ =	shalt  }
0x3f: {  	_ =	shalt  }
0x40: {  	_ =	shalt  }
0x41: {  	_ =	shalt  }
0x42: {  	_ =	shalt  }
0x43: {  	_ =	shalt  }
0x44: {  	_ =	shalt  }
0x45: {  	_ =	shalt  }
0x46: {  	_ =	shalt  }
0x47: {  	_ =	shalt  }
0x48: {  	_ =	shalt  }
0x49: {  	_ =	shalt  }
0x4a: {  	_ =	shalt  }
0x4b: {  	_ =	shalt  }
0x4c: {  	_ =	shalt  }
0x4d: {  	_ =	shalt  }
0x4e: {  	_ =	shalt  }
0x4f: {  	_ =	shalt  }
0x50: {  	_ =	shalt  }
0x51: {  	_ =	shalt  }
0x52: {  	_ =	shalt  }
0x53: {  	_ =	shalt  }
0x54: {  	_ =	shalt  }
0x55: {  	_ =	shalt  }
0x56: {  	_ =	shalt  }
0x57: {  	_ =	shalt  }
0x58: {  	_ =	shalt  }
0x59: {  	_ =	shalt  }
0x5a: {  	_ =	shalt  }
0x5b: {  	_ =	shalt  }
0x5c: {  	_ =	shalt  }
0x5d: {  	_ =	shalt  }
0x5e: {  	_ =	shalt  }
0x5f: {  	_ =	shalt  }
0x60: {  	_ =	shalt  }
0x61: {  	_ =	shalt  }
0x62: {  	_ =	shalt  }
0x63: {  	_ =	shalt  }
0x64: {  	_ =	shalt  }
0x65: {  	_ =	shalt  }
0x66: {  	_ =	shalt  }
0x67: {  	_ =	shalt  }
0x68: {  	_ =	shalt  }
0x69: {  	_ =	shalt  }
0x6a: {  	_ =	shalt  }
0x6b: {  	_ =	shalt  }
0x6c: {  	_ =	shalt  }
0x6d: {  	_ =	shalt  }
0x6e: {  	_ =	shalt  }
0x6f: {  	_ =	shalt  }
0x70: {  	_ =	shalt  }
0x71: {  	_ =	shalt  }
0x72: {  	_ =	shalt  }
0x73: {  	_ =	shalt  }
0x74: {  	_ =	shalt  }
0x75: {  	_ =	shalt  }
0x76: {  	_ =	shalt  }
0x77: {  	_ =	shalt  }
0x78: {  	_ =	shalt  }
0x79: {  	_ =	shalt  }
0x7a: {  	_ =	shalt  }
0x7b: {  	_ =	shalt  }
0x7c: {  	_ =	shalt  }
0x7d: {  	_ =	shalt  }
0x7e: {  	_ =	shalt  }
0x7f: {  	_ =	shalt  }
0x80: {  	_ =	shalt  }
0x81: {  	_ =	shalt  }
0x82: {  	_ =	shalt  }
0x83: {  	_ =	shalt  }
0x84: {  	_ =	shalt  }
0x85: {  	_ =	shalt  }
0x86: {  	_ =	shalt  }
0x87: {  	_ =	shalt  }
.Lfunc_end0:
.L_simem_size_0:
called_computation_lowered:
.L_overlay_start_0:
0x88: {  	s2 =	sld [smem:$0x3FD9]  }
0x89: {  	s3 =	sld [smem:$0x3FFE];
	_ =	sdelay $0x1  }
0x8a: {  	s1 =	srdreg.scid  }
0x8b: {  	s0 =	sand.u32 $0x1, s1  }
0x8c: {  	s18 =	sshll.u32 s0, $0xA;
	s2 =	sadd.s32 s3, s2  }
0x8d: {  	s2 =	sadd.s32 s2, s18  }
0x8e: {  	[smem:$0x3FC6] =	sst s2  }
0x8f: {  	_ = 	snop  }
0x90: {  	s2 =	sld [smem:$0x3FC9]  }
0x91: {  	s19 =	sld [smem:$0x3FC8]  }
0x92: {  	s4 =	sld [smem:$0x3FD0];
	(tm) =	ssettm $0x1  }
0x93: {  	s5 =	sld [smem:$0x3FFB];
	_ =	sdelay $0x3  }
0x94: {  	_ =	strace s5  }
0x95: {  	s5 =	sld [smem:$0x3FFC];
	_ =	sdelay $0x3  }
0x96: {  	_ =	strace s5  }
0x97: {  	s5 =	sld [smem:$0x3FFD];
	_ =	sdelay $0x3  }
0x98: {  	_ =	strace s5  }
0x99: {  	_ =	strace $0x8FFFFFFF  }
0x9a: {  	s20 =	sld [smem:$0x3FDB];
	_ =	sdelay $0x1  }
0x9b: {  	s6 =	simm.s32 $_scs_section_size  }
0x9c: {  	s7 =	simm.s32 $_size__tile_overlayer_lowered;
	s8 =	simm.s32 $_tile_overlayer_lowered  }
0x9d: {  	s23 =	simm.s32 $0x1BFF;
	s22 =	sshll.u32 s8, $0x1;
	s5 =	sadd.s32 s6, s20  }
0x9e: {  	s9 =	simm.s32 $0x0;
	s21 =	sshll.u32 s7, $0x1;
	s7 =	sadd.s32 s22, s5  }
0x9f: {  	[timem:s9], [sflag:s23] =	dma.local [hbm:s7], s21  }
0xa0: {  	_ =	swait.ge [sflag:s23], s21  }
0xa1: {  	s6 =	ssub.s32 $0x0, s21;
	[sflag:s23] =	ssyncset.done $0x0  }
0xa2: {  	[sflag:s23] =	ssyncadd.s32 s6;
	_ =	sdelay $0x1  }
0xa3: {  	s24 =	simm.s32 $0x1B8B  }
0xa4: {  	_ =	swait.ge [sflag:s24], $0x1  }
0xa5: {  	[sflag:s24] =	ssyncset.done $0x0  }
0xa6: {  	s25 =	simm.s32 $0x1B8E;
	[sflag:s24] =	ssyncadd.s32 $0xFFFFFFFF  }
0xa7: {  	s26 =	simm.s32 $execute0_lowered;
	[smem:$0x3FD2] =	sst s25  }
0xa8: {  	s6 =	sshll.u32 s26, $0x1;
	_ =	strace $0x80000046;
	[dreg:$0x1] =	wrdreg $0xFFFFFFFF  }
0xa9: {  	s28 =	simm.s32 $_size_execute0_lowered;
	s5 =	sadd.s32 s5, s6;
	[dreg:$0x0] =	wrdreg $0x0  }
0xaa: {  	s6 =	sshll.u32 s28, $0x1;
	[dreg:$0x2] =	wrdreg s5  }
0xab: {  	[dreg:$0x3] =	wrdreg s6  }
0xac: {  	[dreg:$0x4] =	wrdreg $0xC0  }
0xad: {  	_ =	task [dreg:s9], $0x5FFFF  }
0xae: {  	[dreg:$0x1] =	wrdreg $0xFFFFFFFF  }
0xaf: {  	[dreg:$0x0] =	wrdreg $0x60  }
0xb0: {  	[dreg:$0x2] =	wrdreg s2  }
0xb1: {  	[dreg:$0x3] =	wrdreg s19  }
0xb2: {  	[dreg:$0x4] =	wrdreg s4  }
0xb3: {  	[dreg:$0x5] =	wrdreg $0x9  }
0xb4: {  	_ =	task.clear_ibuf [dreg:s9], $0x6FFFF;
	_ =	strace $0x90000046  }
0xb5: {  	s29 =	simm.s32 $0x9;
	_ =	strace $0x80000048  }
0xb6: {  	_ =	swait.ge [sflag:s29], $0x1  }
0xb7: {  	[sflag:s29] =	ssyncadd.s32 $0xFFFFFFFF  }
0xb8: {  	_ =	strace $0x90000048  }
0xb9: {  	_ =	sfence  }
0xba: {  	s30 =	sld [smem:$0x0];
	_ =	sdelay $0x2  }
0xbb: {  	s31 =	sshll.u32 s1, $0xD;
	s1 =	sshrl.u32 s1, $0x2  }
0xbc: {  	s3 =	sand.u32 $0x4000, s31;
	s1 =	sadd.s32 s1, s30  }
0xbd: {  	s0 =	sor.u32 s3, s0;
	s1 =	sshll.u32 s1, $0x11  }
0xbe: {  	s0 =	sor.u32 s1, s0  }
0xbf: {  	s0 =	sadd.s32 $0x8F2B, s0  }
0xc0: {  	[sflag:s0] =	ssyncadd.remote.s32 $0x1  }
0xc1: {  	_ =	sfence.sel $0xFFFF  }
0xc2: {  	[dreg:$0x0] =	wrdreg $0xFFFFFFFF;
	(pc) =	sbr.abs _section_cstart, $3  }
0xc3: {  	[dreg:$0x1] =	wrdreg $0xFFFFFFFF  }
0xc4: {  	_ =	task.clear_ibuf [dreg:s9], $0x2FFFF;
	_ =	strace $0x9FFFFFFF  }
0xc5: {  	(tm) =	ssettm $0x7FFFFFFF  }
tec
execute0_lowered:
.L_overlay_start_1:
0x0: {  	(tag) =	ssettag $0x1  }
0x1: {  	s8 =	rddreg [dreg:$0x0]  }
0x2: {  	s1 =	rddreg [dreg:$0x1]  }
0x3: {  	s3 =	rddreg [dreg:$0x2]  }
0x4: {  	s0 =	rddreg [dreg:$0x3];
	s5 =	srdreg.scid;
	s4 =	simm.s32 $0x0  }
0x5: {  	s2 =	stileid.u32;
	s12 =	simm.s32 $0x400;
	s13 =	simm.s32 $0x20000  }
0x6: {  	s14 =	simm.s32 $0x800;
	s15 =	simm.s32 $0x6C00;
	s16 =	simm.s32 $0x5  }
0x7: {  	s17 =	simm.s32 $0x1;
	s18 =	simm.s32 $0xD000;
	s19 =	simm.s32 $0x2  }
0x8: {  	s20 =	simm.s32 $0x13400;
	s21 =	simm.s32 $0x3;
	s22 =	simm.s32 $0x4  }
0x9: {  	s23 =	simm.s32 $0x0;
	s5 =	sand.u32 $0x1, s5;
	s7 =	sshll.u32 s2, $0xA  }
.Ltmp0:
0xa: {  	s6 =	ssub.s32 $0x2, s5;
	s5 =	sshll.u32 s5, $0x9;
	(pc) =	sbr.rel .LBB2_1-.Ltmp0, $4  }
0xb: {  	[smem:$0x7FF] =	sst s4;
	s9 =	sshrl.u32 s6, $0x1;
	s11 =	sor.u32 s5, s7  }
0xc: {  	_ =	strace $0x80000047;
	s10 =	ssub.s32 s6, s9;
	s5 =	sadd.s32 s8, s11  }
0xd: {  	s7 =	sadd.s32 s3, s11;
	s8 =	sadd.s32 $0x100, s8;
	s6 =	sadd.s32 $0x80, s5  }
0xe: {  	s9 =	sadd.s32 s11, s8;
	s10 =	smax.u32 s10, $0x1;
	s11 =	sor.u32 $0x80, s11  }
.LBB2_10:
0xf: {  	s23 =	sadd.s32 $0x1, s23  }
0x10: {  	_ =	swait.ge [sflag:s21], $0x6400;
	p0 =	sne.s32 s23, s10  }
.Ltmp1:
0x11: {  	[sflag:s21] =	ssyncset.done $0x0;
	(pc) =	sbr.rel @!p0 .LBB2_11-.Ltmp1, $4  }
0x12: {  	[sflag:s21] =	ssyncadd.s32 $0xFFFF9C00  }
0x13: {  	_ =	swait.ge [sflag:s22], $0x6400  }
0x14: {  	[sflag:s22] =	ssyncset.done $0x0  }
0x15: {  	[sflag:s22] =	ssyncadd.s32 $0xFFFF9C00  }
.LBB2_1:
0x16: {  	[tilespmem:s14], [sflag:$0x1] =	stream.strided.gather [hbm4b:s5+s12], $0x6400, s13, s12, $0x38;
	[tilespmem:$0x19800] =	vst v63  }
0x17: {  	_ = 	snop  }
0x18: {  	[tilespmem:s15], [sflag:$0x2] =	stream.strided.gather [hbm4b:s6+s12], $0x6400, s13, s12, $0x38;
	[tilespmem:$0x19800] =	vst v63  }
0x19: {  	_ = 	snop  }
0x1a: {  	[tilespmem:s4], [sflag:$0x5] =	stream.linear.gather [hbm4b:s1+s4], $0x400, $0x38;
	[tilespmem:$0x19800] =	vst v63  }
0x1b: {  	_ =	swait.ge [sflag:s16], $0x400  }
0x1c: {  	[sflag:s16] =	ssyncset.done $0x0  }
0x1d: {  	s24 =	simm.s32 $0x20;
	[sflag:s16] =	ssyncadd.s32 $0xFFFFFC00  }
0x1e: {  	v0 =	vld [tilespmem:s24+$0x0]  }
0x1f: {  	v1 =	vld [tilespmem:s24+$0xFFFFFFE0];
	_ =	sdelay $0x2  }
0x20: {  	v2 =	vld [tilespmem:s24+$0xFFFFFFF0]  }
0x21: {  	s31 =	simm.s32 $0x60;
	v3 =	vld [tilespmem:s24+$0x10];
	v0 =	vmul.f32 $1.442695020e+00, v0  }
0x22: {  	v4 =	vld [tilespmem:s31+$0x0];
	v1 =	vmul.f32 $1.442695020e+00, v1  }
0x23: {  	(erf) = vpow2.f32 v0;
	v0 =	vld [tilespmem:s31+$0xFFFFFFE0]  }
0x24: {  	(erf) = vpow2.f32 v1;
	v1 =	vld [tilespmem:s31+$0xFFFFFFF0]  }
0x25: {  	v2 =	vmul.f32 $1.442695020e+00, v2  }
0x26: {  	v5 =	vld [tilespmem:s31+$0x10];
	v3 =	vmul.f32 $1.442695020e+00, v3  }
0x27: {  	(erf) = vpow2.f32 v2  }
0x28: {  	v2 =	vmul.f32 $1.442695020e+00, v4;
	(erf) = vpow2.f32 v3  }
0x29: {  	s25 =	simm.s32 $0xA0;
	v3 =	vmul.f32 $1.442695020e+00, v0;
	v6 =	vmul.f32 $1.442695020e+00, v1  }
0x2a: {  	v4 =	vld [tilespmem:s25+$0x0];
	(erf) = vpow2.f32 v2  }
0x2b: {  	v5 =	vmul.f32 $1.442695020e+00, v5;
	(erf) = vpow2.f32 v3  }
0x2c: {  	v0 =	vld [tilespmem:s25+$0xFFFFFFE0];
	(erf) = vpow2.f32 v6  }
0x2d: {  	v1 =	vld [tilespmem:s25+$0xFFFFFFF0];
	v6 =	vpop (erf);
	(erf) = vpow2.f32 v5  }
0x2e: {  	s24 =	simm.s32 $0x420;
	v2 =	vld [tilespmem:s25+$0x10]  }
0x2f: {  	s26 =	simm.s32 $0x8;
	s28 =	simm.s32 $0xE0;
	s25 =	simm.s32 $0x420;
	v3 =	vmul.f32 $1.442695020e+00, v4;
	[tilespmem:s24+$0x0] =	vst v6;
	v4 =	vpop (erf)  }
.LBB2_2:
0x30: {  	s26 =	sadd.s32 $0x4, s26  }
0x31: {  	v5 =	vld [tilespmem:s28+$0x0];
	v6 =	vmul.f32 $1.442695020e+00, v0;
	[tilespmem:s24+$0xFFFFFFE0] =	vst v4;
	s25 =	sadd.s32 $0x40, s25;
	v4 =	vpop (erf);
	p0 =	slt.u32 s26, $0x3C  }
.Ltmp2:
0x32: {  	v0 =	vld [tilespmem:s28+$0xFFFFFFE0];
	v7 =	vmul.f32 $1.442695020e+00, v1;
	(erf) = vpow2.f32 v3;
	[tilespmem:s24+$0xFFFFFFF0] =	vst v4;
	v3 =	vpop (erf);
	(pc) =	sbr.rel @p0 .LBB2_2-.Ltmp2, $4  }
0x33: {  	v1 =	vld [tilespmem:s28+$0xFFFFFFF0];
	v8 =	vmul.f32 $1.442695020e+00, v2;
	(erf) = vpow2.f32 v6;
	[tilespmem:s24+$0x10] =	vst v3;
	s24 =	smov.u32 s25  }
0x34: {  	v2 =	vld [tilespmem:s28+$0x10];
	(erf) = vpow2.f32 v7  }
0x35: {  	(erf) = vpow2.f32 v8;
	v4 =	vpop (erf)  }
0x36: {  	s28 =	sadd.s32 $0x40, s28;
	v3 =	vmul.f32 $1.442695020e+00, v5;
	[tilespmem:s25+$0x0] =	vst v4;
	v4 =	vpop (erf)  }
0x37: {  	v0 =	vmul.f32 $1.442695020e+00, v0  }
0x38: {  	v1 =	vmul.f32 $1.442695020e+00, v1;
	(erf) = vpow2.f32 v3  }
0x39: {  	v2 =	vmul.f32 $1.442695020e+00, v2;
	(erf) = vpow2.f32 v0  }
0x3a: {  	(erf) = vpow2.f32 v1  }
0x3b: {  	[tilespmem:s24+$0xFFFFFFE0] =	vst v4;
	v54 =	vpop (erf);
	(erf) = vpow2.f32 v2  }
0x3c: {  	v55 =	vpop (erf);
	[tilespmem:s24+$0xFFFFFFF0] =	vst v54  }
0x3d: {  	s25 =	sadd.s32 $0x40, s25;
	[tilespmem:s24+$0x10] =	vst v55;
	v56 =	vpop (erf)  }
0x3e: {  	[tilespmem:s25+$0x0] =	vst v56;
	v57 =	vpop (erf)  }
0x3f: {  	[tilespmem:s25+$0xFFFFFFE0] =	vst v57;
	v58 =	vpop (erf)  }
0x40: {  	[tilespmem:s25+$0xFFFFFFF0] =	vst v58;
	v59 =	vpop (erf)  }
0x41: {  	s26 =	sadd.s32 $0x40, s25;
	[tilespmem:s25+$0x10] =	vst v59;
	v60 =	vpop (erf)  }
0x42: {  	[tilespmem:s26+$0x0] =	vst v60;
	v61 =	vpop (erf)  }
0x43: {  	[tilespmem:s26+$0xFFFFFFE0] =	vst v61;
	v62 =	vpop (erf)  }
0x44: {  	[tilespmem:s26+$0xFFFFFFF0] =	vst v62;
	v63 =	vpop (erf)  }
0x45: {  	p0 =	por $0x1, $0x1;
	p1 =	por $0x0, $0x0;
	s24 =	simm.s32 $0x0;
	[tilespmem:s26+$0x10] =	vst v63  }
.LBB2_4:
0x46: {  	_ =	swait.ge [sflag:s17], $0x6400  }
0x47: {  	[sflag:s17] =	ssyncset.done $0x0  }
0x48: {  	s25 =	simm.s32 @p1 $0x3;
	[sflag:s17] =	ssyncadd.s32 $0xFFFF9C00  }
0x49: {  	_ =	swait.ge @p1 [sflag:s25], $0x6400  }
0x4a: {  	[sflag:s25] =	ssyncset.done @p1 $0x0  }
0x4b: {  	[sflag:s25] =	ssyncadd.s32 @p1 $0xFFFF9C00;
	s25 =	simm.s32 $0x0  }
0x4c: {  	v0 =	vld [tilespmem:s25+$0x800];
	_ =	sdelay $0x6  }
0x4d: {  	v1 =	vld [tilespmem:s25+$0x810]  }
0x4e: {  	v0 =	vld.idx.msk [tilespmem:v0+s12+$0x0], $0xffff;
	_ =	sdelay $0x1  }
0x4f: {  	s26 =	simm.s32 $0x80  }
0x50: {  	v2 =	vld [tilespmem:s26+$0x800];
	_ =	sdelay $0x1  }
0x51: {  	[tilespmem:s25+$0xD000] =	vst v0;
	v0 =	vld [tilespmem:s25+$0x820];
	_ =	sdelay $0x1  }
0x52: {  	v1 =	vld.idx.msk [tilespmem:v1+s12+$0x0], $0xffff;
	_ =	sdelay $0x2  }
0x53: {  	v3 =	vld [tilespmem:s26+$0x810]  }
0x54: {  	v2 =	vld.idx.msk [tilespmem:v2+s12+$0x0], $0xffff  }
0x55: {  	[tilespmem:s25+$0xD010] =	vst v1;
	v1 =	vld [tilespmem:s25+$0x830]  }
0x56: {  	v0 =	vld.idx.msk [tilespmem:v0+s12+$0x0], $0xffff;
	_ =	sdelay $0x3  }
0x57: {  	[tilespmem:s26+$0xD000] =	vst v2;
	v2 =	vld [tilespmem:s26+$0x820]  }
0x58: {  	[tilespmem:s25+$0xD020] =	vst v0;
	v0 =	vld [tilespmem:s25+$0x840]  }
0x59: {  	v3 =	vld.idx.msk [tilespmem:v3+s12+$0x0], $0xffff  }
0x5a: {  	s28 =	simm.s32 $0x100;
	v1 =	vld.idx.msk [tilespmem:v1+s12+$0x0], $0xffff  }
0x5b: {  	v4 =	vld [tilespmem:s28+$0x800];
	_ =	sdelay $0x2  }
0x5c: {  	[tilespmem:s26+$0xD010] =	vst v3;
	v3 =	vld [tilespmem:s26+$0x830]  }
0x5d: {  	[tilespmem:s25+$0xD030] =	vst v1;
	v1 =	vld [tilespmem:s25+$0x850]  }
0x5e: {  	v0 =	vld.idx.msk [tilespmem:v0+s12+$0x0], $0xffff  }
0x5f: {  	v2 =	vld.idx.msk [tilespmem:v2+s12+$0x0], $0xffff  }
0x60: {  	v5 =	vld [tilespmem:s28+$0x810]  }
0x61: {  	v4 =	vld.idx.msk [tilespmem:v4+s12+$0x0], $0xffff;
	_ =	sdelay $0x1  }
0x62: {  	[tilespmem:s25+$0xD040] =	vst v0;
	v0 =	vld [tilespmem:s25+$0x860]  }
0x63: {  	[tilespmem:s26+$0xD020] =	vst v2;
	v2 =	vld [tilespmem:s26+$0x840]  }
0x64: {  	v1 =	vld.idx.msk [tilespmem:v1+s12+$0x0], $0xffff  }
0x65: {  	[tilespmem:s28+$0xD000] =	vst v4;
	v4 =	vld [tilespmem:s28+$0x820]  }
0x66: {  	v3 =	vld.idx.msk [tilespmem:v3+s12+$0x0], $0xffff  }
0x67: {  	s29 =	simm.s32 $0x180;
	s30 =	simm.s32 $0x800;
	v5 =	vld.idx.msk [tilespmem:v5+s12+$0x0], $0xffff  }
.LBB2_5:
0x68: {  	p2 =	sne.s32 s30, $0x18E00;
	v6 =	vld [tilespmem:s29+$0x800];
	s31 =	smov.u32 s26;
	s26 =	smov.u32 s28  }
0x69: {  	s28 =	smov.u32 s29;
	[tilespmem:s25+$0xD050] =	vst v1;
	v1 =	vld [tilespmem:s25+$0x870]  }
0x6a: {  	v0 =	vld.idx.msk [tilespmem:v0+s12+$0x0], $0xffff  }
0x6b: {  	[tilespmem:s31+$0xD030] =	vst v3;
	v3 =	vld [tilespmem:s31+$0x850]  }
0x6c: {  	v2 =	vld.idx.msk [tilespmem:v2+s12+$0x0], $0xffff  }
0x6d: {  	[tilespmem:s26+$0xD010] =	vst v5;
	v5 =	vld [tilespmem:s26+$0x830]  }
0x6e: {  	v4 =	vld.idx.msk [tilespmem:v4+s12+$0x0], $0xffff  }
0x6f: {  	v7 =	vld [tilespmem:s28+$0x810]  }
0x70: {  	v6 =	vld.idx.msk [tilespmem:v6+s12+$0x0], $0xffff;
	[tilespmem:s25+$0xD060] =	vst v0  }
0x71: {  	v8 =	vld.idx.msk [tilespmem:v1+s12+$0x0], $0xffff  }
0x72: {  	[tilespmem:s31+$0xD040] =	vst v2;
	v0 =	vld [tilespmem:s31+$0x860]  }
.Ltmp3:
0x73: {  	v1 =	vld.idx.msk [tilespmem:v3+s12+$0x0], $0xffff;
	(pc) =	sbr.rel @p2 .LBB2_5-.Ltmp3, $4  }
0x74: {  	[tilespmem:s26+$0xD020] =	vst v4;
	v2 =	vld [tilespmem:s26+$0x840]  }
0x75: {  	v3 =	vld.idx.msk [tilespmem:v5+s12+$0x0], $0xffff  }
0x76: {  	[tilespmem:s28+$0xD000] =	vst v6;
	v4 =	vld [tilespmem:s28+$0x820]  }
0x77: {  	s29 =	sshra.s32 s30, $0x2;
	s30 =	sadd.s32 $0x200, s30;
	v5 =	vld.idx.msk [tilespmem:v7+s12+$0x0], $0xffff;
	[tilespmem:s25+$0xD070] =	vst v8;
	s25 =	smov.u32 s31  }
0x78: {  	v6 =	vld [tilespmem:s29+$0x800];
	_ =	sdelay $0x5  }
0x79: {  	v7 =	vld [tilespmem:s29+$0x810];
	_ =	sdelay $0x1  }
0x7a: {  	v6 =	vld.idx.msk [tilespmem:v6+s12+$0x0], $0xffff;
	_ =	sdelay $0x4  }
0x7b: {  	[tilespmem:s29+$0xD000] =	vst v6;
	v6 =	vld [tilespmem:s29+$0x820]  }
0x7c: {  	v7 =	vld.idx.msk [tilespmem:v7+s12+$0x0], $0xffff;
	_ =	sdelay $0x1  }
0x7d: {  	[tilespmem:s28+$0xD010] =	vst v5;
	v5 =	vld [tilespmem:s28+$0x830]  }
0x7e: {  	v4 =	vld.idx.msk [tilespmem:v4+s12+$0x0], $0xffff;
	_ =	sdelay $0x1  }
0x7f: {  	[tilespmem:s29+$0xD010] =	vst v7;
	v7 =	vld [tilespmem:s29+$0x830];
	_ =	sdelay $0x1  }
0x80: {  	v6 =	vld.idx.msk [tilespmem:v6+s12+$0x0], $0xffff  }
0x81: {  	[tilespmem:s28+$0xD020] =	vst v4;
	v4 =	vld [tilespmem:s28+$0x840]  }
0x82: {  	[tilespmem:s26+$0xD030] =	vst v3;
	v3 =	vld [tilespmem:s26+$0x850]  }
0x83: {  	v5 =	vld.idx.msk [tilespmem:v5+s12+$0x0], $0xffff  }
0x84: {  	v2 =	vld.idx.msk [tilespmem:v2+s12+$0x0], $0xffff  }
0x85: {  	[tilespmem:s29+$0xD020] =	vst v6;
	v6 =	vld [tilespmem:s29+$0x840]  }
0x86: {  	v7 =	vld.idx.msk [tilespmem:v7+s12+$0x0], $0xffff;
	_ =	sdelay $0x1  }
0x87: {  	[tilespmem:s28+$0xD030] =	vst v5;
	v5 =	vld [tilespmem:s28+$0x850]  }
0x88: {  	v4 =	vld.idx.msk [tilespmem:v4+s12+$0x0], $0xffff  }
0x89: {  	[tilespmem:s26+$0xD040] =	vst v2;
	v2 =	vld [tilespmem:s26+$0x860]  }
0x8a: {  	[tilespmem:s29+$0xD030] =	vst v7;
	v7 =	vld [tilespmem:s29+$0x850]  }
0x8b: {  	v3 =	vld.idx.msk [tilespmem:v3+s12+$0x0], $0xffff  }
0x8c: {  	v6 =	vld.idx.msk [tilespmem:v6+s12+$0x0], $0xffff  }
0x8d: {  	[tilespmem:s28+$0xD040] =	vst v4;
	v4 =	vld [tilespmem:s28+$0x860];
	_ =	sdelay $0x1  }
0x8e: {  	v5 =	vld.idx.msk [tilespmem:v5+s12+$0x0], $0xffff  }
0x8f: {  	[tilespmem:s26+$0xD050] =	vst v3;
	v3 =	vld [tilespmem:s26+$0x870]  }
0x90: {  	[tilespmem:s29+$0xD040] =	vst v6;
	v6 =	vld [tilespmem:s29+$0x860]  }
0x91: {  	[tilespmem:s25+$0xD050] =	vst v1;
	v1 =	vld.idx.msk [tilespmem:v7+s12+$0x0], $0xffff  }
0x92: {  	v2 =	vld.idx.msk [tilespmem:v2+s12+$0x0], $0xffff  }
0x93: {  	[tilespmem:s28+$0xD050] =	vst v5;
	v5 =	vld [tilespmem:s28+$0x870]  }
0x94: {  	v4 =	vld.idx.msk [tilespmem:v4+s12+$0x0], $0xffff  }
0x95: {  	v7 =	vld [tilespmem:s25+$0x870]  }
0x96: {  	[tilespmem:s29+$0xD050] =	vst v1;
	v1 =	vld [tilespmem:s29+$0x870]  }
0x97: {  	v0 =	vld.idx.msk [tilespmem:v0+s12+$0x0], $0xffff  }
0x98: {  	v6 =	vld.idx.msk [tilespmem:v6+s12+$0x0], $0xffff;
	_ =	sdelay $0x1  }
0x99: {  	[tilespmem:s26+$0xD060] =	vst v2  }
0x9a: {  	v2 =	vld.idx.msk [tilespmem:v3+s12+$0x0], $0xffff;
	[tilespmem:s28+$0xD060] =	vst v4  }
0x9b: {  	[tilespmem:s25+$0xD060] =	vst v0;
	v3 =	vld.idx.msk [tilespmem:v5+s12+$0x0], $0xffff  }
0x9c: {  	v0 =	vld.idx.msk [tilespmem:v7+s12+$0x0], $0xffff;
	[tilespmem:s29+$0xD060] =	vst v6  }
0x9d: {  	v1 =	vld.idx.msk [tilespmem:v1+s12+$0x0], $0xffff;
	_ =	sdelay $0x1  }
0x9e: {  	[tilespmem:s26+$0xD070] =	vst v2  }
0x9f: {  	[tilespmem:s28+$0xD070] =	vst v3  }
0xa0: {  	[tilespmem:s25+$0xD070] =	vst v0  }
0xa1: {  	s31 =	sadd.s32 s24, s7;
	[tilespmem:s29+$0xD070] =	vst v1  }
0xa2: {  	[hbm4b:s31+s12] =	stream.strided.scatter [tilespmem:s18], [sflag:$0x3], $0x6400, s13, s12, $0x38;
	[tilespmem:$0x19800] =	vst v63  }
0xa3: {  	s26 =	simm.s32 @p0 $0x20000;
	s28 =	simm.s32 @p0 $0x800;
	s25 =	simm.s32 @p0 $0x400  }
0xa4: {  	[tilespmem:s28], [sflag:$0x1] =	stream.strided.gather @p0 [hbm4b:s9+s25], $0x6400, s26, s25, $0x38;
	[tilespmem:$0x19800] =	vst v63  }
0xa5: {  	_ =	swait.ge [sflag:s19], $0x6400  }
0xa6: {  	[sflag:s19] =	ssyncset.done $0x0  }
0xa7: {  	s25 =	simm.s32 @p1 $0x4;
	[sflag:s19] =	ssyncadd.s32 $0xFFFF9C00  }
0xa8: {  	_ =	swait.ge @p1 [sflag:s25], $0x6400  }
0xa9: {  	[sflag:s25] =	ssyncset.done @p1 $0x0  }
0xaa: {  	[sflag:s25] =	ssyncadd.s32 @p1 $0xFFFF9C00;
	s25 =	simm.s32 $0x0  }
0xab: {  	v0 =	vld [tilespmem:s25+$0x6C00];
	_ =	sdelay $0x6  }
0xac: {  	v1 =	vld [tilespmem:s25+$0x6C10]  }
0xad: {  	v0 =	vld.idx.msk [tilespmem:v0+s12+$0x0], $0xffff;
	_ =	sdelay $0x1  }
0xae: {  	s26 =	simm.s32 $0x80  }
0xaf: {  	v2 =	vld [tilespmem:s26+$0x6C00];
	_ =	sdelay $0x1  }
0xb0: {  	[tilespmem:s25+$0x13400] =	vst v0;
	v0 =	vld [tilespmem:s25+$0x6C20];
	_ =	sdelay $0x1  }
0xb1: {  	v1 =	vld.idx.msk [tilespmem:v1+s12+$0x0], $0xffff;
	_ =	sdelay $0x2  }
0xb2: {  	v3 =	vld [tilespmem:s26+$0x6C10]  }
0xb3: {  	v2 =	vld.idx.msk [tilespmem:v2+s12+$0x0], $0xffff  }
0xb4: {  	[tilespmem:s25+$0x13410] =	vst v1;
	v1 =	vld [tilespmem:s25+$0x6C30]  }
0xb5: {  	v0 =	vld.idx.msk [tilespmem:v0+s12+$0x0], $0xffff;
	_ =	sdelay $0x3  }
0xb6: {  	[tilespmem:s26+$0x13400] =	vst v2;
	v2 =	vld [tilespmem:s26+$0x6C20]  }
0xb7: {  	[tilespmem:s25+$0x13420] =	vst v0;
	v0 =	vld [tilespmem:s25+$0x6C40]  }
0xb8: {  	v3 =	vld.idx.msk [tilespmem:v3+s12+$0x0], $0xffff  }
0xb9: {  	s28 =	simm.s32 $0x100;
	v1 =	vld.idx.msk [tilespmem:v1+s12+$0x0], $0xffff  }
0xba: {  	v4 =	vld [tilespmem:s28+$0x6C00];
	_ =	sdelay $0x2  }
0xbb: {  	[tilespmem:s26+$0x13410] =	vst v3;
	v3 =	vld [tilespmem:s26+$0x6C30]  }
0xbc: {  	[tilespmem:s25+$0x13430] =	vst v1;
	v1 =	vld [tilespmem:s25+$0x6C50]  }
0xbd: {  	v0 =	vld.idx.msk [tilespmem:v0+s12+$0x0], $0xffff  }
0xbe: {  	v2 =	vld.idx.msk [tilespmem:v2+s12+$0x0], $0xffff  }
0xbf: {  	v5 =	vld [tilespmem:s28+$0x6C10]  }
0xc0: {  	v4 =	vld.idx.msk [tilespmem:v4+s12+$0x0], $0xffff;
	_ =	sdelay $0x1  }
0xc1: {  	[tilespmem:s25+$0x13440] =	vst v0;
	v0 =	vld [tilespmem:s25+$0x6C60]  }
0xc2: {  	[tilespmem:s26+$0x13420] =	vst v2;
	v2 =	vld [tilespmem:s26+$0x6C40]  }
0xc3: {  	v1 =	vld.idx.msk [tilespmem:v1+s12+$0x0], $0xffff  }
0xc4: {  	[tilespmem:s28+$0x13400] =	vst v4;
	v4 =	vld [tilespmem:s28+$0x6C20]  }
0xc5: {  	v3 =	vld.idx.msk [tilespmem:v3+s12+$0x0], $0xffff  }
0xc6: {  	s24 =	sor.u32 s11, s24;
	s30 =	simm.s32 $0x800;
	s29 =	simm.s32 $0x180;
	v5 =	vld.idx.msk [tilespmem:v5+s12+$0x0], $0xffff  }
.LBB2_7:
0xc7: {  	p1 =	sne.s32 s30, $0x18E00;
	v6 =	vld [tilespmem:s29+$0x6C00];
	s31 =	smov.u32 s26;
	s26 =	smov.u32 s28  }
0xc8: {  	s28 =	smov.u32 s29;
	[tilespmem:s25+$0x13450] =	vst v1;
	v1 =	vld [tilespmem:s25+$0x6C70]  }
0xc9: {  	v0 =	vld.idx.msk [tilespmem:v0+s12+$0x0], $0xffff  }
0xca: {  	[tilespmem:s31+$0x13430] =	vst v3;
	v3 =	vld [tilespmem:s31+$0x6C50]  }
0xcb: {  	v2 =	vld.idx.msk [tilespmem:v2+s12+$0x0], $0xffff  }
0xcc: {  	[tilespmem:s26+$0x13410] =	vst v5;
	v5 =	vld [tilespmem:s26+$0x6C30]  }
0xcd: {  	v4 =	vld.idx.msk [tilespmem:v4+s12+$0x0], $0xffff  }
0xce: {  	v7 =	vld [tilespmem:s28+$0x6C10]  }
0xcf: {  	v6 =	vld.idx.msk [tilespmem:v6+s12+$0x0], $0xffff;
	[tilespmem:s25+$0x13460] =	vst v0  }
0xd0: {  	v8 =	vld.idx.msk [tilespmem:v1+s12+$0x0], $0xffff  }
0xd1: {  	[tilespmem:s31+$0x13440] =	vst v2;
	v0 =	vld [tilespmem:s31+$0x6C60]  }
.Ltmp4:
0xd2: {  	v1 =	vld.idx.msk [tilespmem:v3+s12+$0x0], $0xffff;
	(pc) =	sbr.rel @p1 .LBB2_7-.Ltmp4, $4  }
0xd3: {  	[tilespmem:s26+$0x13420] =	vst v4;
	v2 =	vld [tilespmem:s26+$0x6C40]  }
0xd4: {  	v3 =	vld.idx.msk [tilespmem:v5+s12+$0x0], $0xffff  }
0xd5: {  	[tilespmem:s28+$0x13400] =	vst v6;
	v4 =	vld [tilespmem:s28+$0x6C20]  }
0xd6: {  	s29 =	sshra.s32 s30, $0x2;
	s30 =	sadd.s32 $0x200, s30;
	v5 =	vld.idx.msk [tilespmem:v7+s12+$0x0], $0xffff;
	[tilespmem:s25+$0x13470] =	vst v8;
	s25 =	smov.u32 s31  }
0xd7: {  	v6 =	vld [tilespmem:s29+$0x6C00];
	_ =	sdelay $0x5  }
0xd8: {  	v7 =	vld [tilespmem:s29+$0x6C10];
	_ =	sdelay $0x1  }
0xd9: {  	v6 =	vld.idx.msk [tilespmem:v6+s12+$0x0], $0xffff;
	_ =	sdelay $0x3  }
0xda: {  	v47 =	vld [tilespmem:s29+$0x6C20]  }
0xdb: {  	[tilespmem:s29+$0x13400] =	vst v6  }
0xdc: {  	v7 =	vld.idx.msk [tilespmem:v7+s12+$0x0], $0xffff;
	_ =	sdelay $0x2  }
0xdd: {  	v48 =	vld [tilespmem:s28+$0x6C30]  }
0xde: {  	v49 =	vld [tilespmem:s29+$0x6C30];
	[tilespmem:s28+$0x13410] =	vst v5  }
0xdf: {  	v4 =	vld.idx.msk [tilespmem:v4+s12+$0x0], $0xffff;
	[tilespmem:s29+$0x13410] =	vst v7  }
0xe0: {  	v6 =	vld.idx.msk [tilespmem:v47+s12+$0x0], $0xffff  }
0xe1: {  	v50 =	vld [tilespmem:s28+$0x6C40]  }
0xe2: {  	v51 =	vld [tilespmem:s29+$0x6C40]  }
0xe3: {  	v52 =	vld [tilespmem:s26+$0x6C50]  }
0xe4: {  	v53 =	vld [tilespmem:s28+$0x6C50];
	[tilespmem:s28+$0x13420] =	vst v4  }
0xe5: {  	v5 =	vld.idx.msk [tilespmem:v48+s12+$0x0], $0xffff;
	[tilespmem:s29+$0x13420] =	vst v6  }
0xe6: {  	v7 =	vld.idx.msk [tilespmem:v49+s12+$0x0], $0xffff  }
0xe7: {  	v54 =	vld [tilespmem:s29+$0x6C50]  }
0xe8: {  	v55 =	vld [tilespmem:s26+$0x6C60]  }
0xe9: {  	v56 =	vld [tilespmem:s28+$0x6C60];
	[tilespmem:s26+$0x13430] =	vst v3  }
0xea: {  	v2 =	vld.idx.msk [tilespmem:v2+s12+$0x0], $0xffff;
	[tilespmem:s28+$0x13430] =	vst v5  }
0xeb: {  	v4 =	vld.idx.msk [tilespmem:v50+s12+$0x0], $0xffff;
	[tilespmem:s29+$0x13430] =	vst v7  }
0xec: {  	v6 =	vld.idx.msk [tilespmem:v51+s12+$0x0], $0xffff  }
0xed: {  	v57 =	vld [tilespmem:s29+$0x6C60]  }
0xee: {  	v59 =	vld [tilespmem:s25+$0x6C70]  }
0xef: {  	v60 =	vld [tilespmem:s26+$0x6C70];
	[tilespmem:s26+$0x13440] =	vst v2  }
0xf0: {  	v3 =	vld.idx.msk [tilespmem:v52+s12+$0x0], $0xffff;
	[tilespmem:s28+$0x13440] =	vst v4  }
0xf1: {  	v5 =	vld.idx.msk [tilespmem:v53+s12+$0x0], $0xffff;
	[tilespmem:s29+$0x13440] =	vst v6  }
0xf2: {  	v58 =	vld.idx.msk [tilespmem:v54+s12+$0x0], $0xffff  }
0xf3: {  	v61 =	vld [tilespmem:s28+$0x6C70]  }
0xf4: {  	[tilespmem:s25+$0x13450] =	vst v1;
	v62 =	vld [tilespmem:s29+$0x6C70]  }
0xf5: {  	v0 =	vld.idx.msk [tilespmem:v0+s12+$0x0], $0xffff;
	[tilespmem:s26+$0x13450] =	vst v3  }
0xf6: {  	v2 =	vld.idx.msk [tilespmem:v55+s12+$0x0], $0xffff;
	[tilespmem:s28+$0x13450] =	vst v5  }
0xf7: {  	v4 =	vld.idx.msk [tilespmem:v56+s12+$0x0], $0xffff;
	[tilespmem:s29+$0x13450] =	vst v58  }
0xf8: {  	v6 =	vld.idx.msk [tilespmem:v57+s12+$0x0], $0xffff;
	_ =	sdelay $0x1  }
0xf9: {  	[tilespmem:s25+$0x13460] =	vst v0  }
0xfa: {  	v0 =	vld.idx.msk [tilespmem:v59+s12+$0x0], $0xffff;
	[tilespmem:s26+$0x13460] =	vst v2  }
0xfb: {  	v2 =	vld.idx.msk [tilespmem:v60+s12+$0x0], $0xffff;
	[tilespmem:s28+$0x13460] =	vst v4  }
0xfc: {  	v63 =	vld.idx.msk [tilespmem:v61+s12+$0x0], $0xffff;
	[tilespmem:s29+$0x13460] =	vst v6  }
0xfd: {  	v1 =	vld.idx.msk [tilespmem:v62+s12+$0x0], $0xffff;
	_ =	sdelay $0x1  }
.Ltmp5:
0xfe: {  	[tilespmem:s25+$0x13470] =	vst v0;
	(pc) =	sbr.rel @!p0 .LBB2_10-.Ltmp5, $4  }
0xff: {  	[tilespmem:s26+$0x13470] =	vst v2  }
0x100: {  	[tilespmem:s28+$0x13470] =	vst v63  }
0x101: {  	s31 =	sadd.s32 s3, s24;
	[tilespmem:s29+$0x13470] =	vst v1  }
0x102: {  	[hbm4b:s31+s12] =	stream.strided.scatter [tilespmem:s20], [sflag:$0x4], $0x6400, s13, s12, $0x38;
	[tilespmem:$0x19800] =	vst v63  }
.Ltmp6:
0x103: {  	(pc) =	sbr.rel .LBB2_4-.Ltmp6, $4  }
0x104: {  	_ = 	snop  }
0x105: {  	s24 =	sadd.s32 s24, s8  }
0x106: {  	[tilespmem:s15], [sflag:$0x2] =	stream.strided.gather [hbm4b:s24+s12], $0x6400, s13, s12, $0x38;
	[tilespmem:$0x19800] =	vst v63  }
0x107: {  	p0 =	por $0x0, $0x0;
	p1 =	por $0x1, $0x1;
	s24 =	simm.s32 $0x100  }
.LBB2_11:
0x108: {  	_ =	sfence.sel $0x180000  }
0x109: {  	[bflag:$0x0] =	sbarrier.arrive $0xFFFF  }
0x10a: {  	p0 =	sne.s32 s2, $0x0;
	_ =	strace $0x90000047  }
0x10b: {  	s0 =	sadd.s32 @!p0 $0x100000, s0;
	[bflag:$0x2] =	sbarrier.arrive $0xFFFF  }
0x10c: {  	[sflag:s0] =	ssyncadd.tile.s32 @!p0 $0x1;
	_ =	shalt  }
.Lfunc_end2:
_tile_overlayer_lowered:
.L_overlay_start_2:
0x10d: {  	(tag) =	ssettag $0x2  }
0x10e: {  	s0 =	rddreg [dreg:$0x0];
	s2 =	stileid.u32  }
0x10f: {  	s1 =	rddreg [dreg:$0x1];
	p0 =	sne.s32 s2, $0x0  }
0x110: {  	s3 =	rddreg [dreg:$0x2];
	[bflag:$0x3] =	sbarrier.arrive $0xFFFF;
	s2 =	simm.s32 @!p0 $0x1C05  }
0x111: {  	[timem:s3], [sflag:s2] =	dma.local @!p0 [hbm:s0], s1  }
0x112: {  	s0 =	simm.s32 @!p0 $0x5  }
0x113: {  	_ =	swait.ge @!p0 [sflag:s0], s1  }
0x114: {  	s1 =	ssub.s32 @!p0 $0x0, s1;
	[sflag:s0] =	ssyncset.done @!p0 $0x0  }
0x115: {  	[sflag:s0] =	ssyncadd.s32 @!p0 s1  }
0x116: {  	[bflag:$0x3] =	sbarrier.arrive $0xFFFF  }
0x117: {  	_ =	shalt  }

</sc_bundles>
